<compile_context>
chip_gen: v7x
topology: tpu7x:2x2x1
jax: 0.10.2.dev20260603
libtpu: 0.0.44.dev20260713+nightly
codegen_flags: <defaults>
</compile_context>

<pallas_src>
import jax
import jax.numpy as jnp
from jax.experimental import pallas as pl
from jax.experimental.pallas import tpu as pltpu
from jax.experimental.pallas import tpu_sc as plsc

_BLOCK_ROWS = 16
_LANES = 16


def kernel(x, rate_id, rate_embedding):
    b, s, d = x.shape
    rows = b * s
    x2 = x.reshape(rows, d)
    idx = jnp.asarray([rate_id], dtype=jnp.int32)

    def sc_body(idx_hbm, x_hbm, emb_hbm, o_hbm, rowbuf, idx_vmem, sem):
        pltpu.async_copy(idx_hbm, idx_vmem, sem).wait()
        pltpu.sync_copy(emb_hbm.at[idx_vmem], rowbuf)

        def add_block(x_vmem, o_vmem):
            @pl.loop(0, _BLOCK_ROWS)
            def _(r):
                @pl.loop(0, d, step=_LANES)
                def _(c):
                    o_vmem[r, pl.ds(c, _LANES)] = (
                        x_vmem[r, pl.ds(c, _LANES)] + rowbuf[0, pl.ds(c, _LANES)]
                    )

        pltpu.emit_pipeline(
            add_block,
            grid=(rows // _BLOCK_ROWS,),
            in_specs=[pl.BlockSpec((_BLOCK_ROWS, d), lambda i: (i, 0))],
            out_specs=[pl.BlockSpec((_BLOCK_ROWS, d), lambda i: (i, 0))],
            core_axis_name=("c", "s"),
            dimension_semantics=(pltpu.PARALLEL,),
        )(x_hbm, o_hbm)

    out = pl.kernel(
        sc_body,
        out_type=jax.ShapeDtypeStruct((rows, d), x.dtype),
        mesh=plsc.VectorSubcoreMesh(core_axis_name="c", subcore_axis_name="s"),
        scratch_types=[
            pltpu.VMEM((1, d), x.dtype),
            pltpu.VMEM((1,), jnp.int32),
            pltpu.SemaphoreType.DMA,
        ],
    )(idx, x2, rate_embedding)
    return out.reshape(b, s, d)

# --- scband reference (transcript-rebuilt; emitter-appended) ---
"""Pipeline reference for scband-adaptive-rate-encoder-54228257079942 (READ-ONLY COPY).

The authoritative reference and input builder live on the scoring server;
editing this copy changes nothing except your own understanding.
"""

import jax, jax.numpy as jnp
import numpy as np


def setup_inputs(seed: int = 0) -> dict:
    key = jax.random.key(seed)
    k_x, k_emb = jax.random.split(key, 2)
    x = jax.random.normal(k_x, (4, 4096, 1024), dtype=jnp.float32)
    rate_id = 2  # python int scalar, in [0, num_rates)
    rate_embedding = jax.random.normal(k_emb, (4, 1024), dtype=jnp.float32) * 0.02
    return {"x": x, "rate_id": rate_id, "rate_embedding": rate_embedding}


def reference(x, rate_id, rate_embedding):
    # rate_emb = self.rate_embedding(torch.tensor([rate_id]))  -> [1, embed_dim]
    idx = jnp.asarray([rate_id], dtype=jnp.int32)
    rate_emb = jnp.take(rate_embedding, idx, axis=0)  # [1, embed_dim]
    # unsqueeze(1).expand(batch, seq_len, -1)
    batch, seq_len, _ = x.shape
    rate_emb = jnp.broadcast_to(rate_emb[:, None, :], (batch, seq_len, rate_emb.shape[-1]))
    return x + rate_emb

if __name__ == "__main__":
    import jax
    _d = setup_inputs()
    print(jax.jit(kernel)(*tuple(_d.values())))

</pallas_src>

<mosaic_0001>
#map = affine_map<(d0, d1) -> (0)>
#map1 = affine_map<(d0, d1) -> (0, 0)>
module attributes {stable_mosaic.version = 14 : i64} {
  func.func @sc_body(%arg0: i32, %arg1: i32, %arg2: memref<1xi32, #tpu.memory_space<hbm>>, %arg3: memref<16384x1024xf32, #tpu.memory_space<hbm>>, %arg4: memref<4x1024xf32, #tpu.memory_space<hbm>>, %arg5: memref<16384x1024xf32, #tpu.memory_space<hbm>>, %arg6: memref<1x1024xf32, #tpu.memory_space<vmem>>, %arg7: memref<1xi32, #tpu.memory_space<vmem>>, %arg8: memref<!tpu.dma_semaphore, #tpu.memory_space<semaphore_mem>>) attributes {dimension_semantics = [#tpu.dimension_semantics<core_parallel>, #tpu.dimension_semantics<subcore_parallel>], iteration_bounds = array<i64: 2, 16>, scalar_prefetch = 0 : i64, scratch_operands = 3 : i64, tpu.core_type = #tpu.core_type<sc_vector_subcore>, window_params = [{transform_indices = #map}, {transform_indices = #map1}, {transform_indices = #map1}, {transform_indices = #map1}]} {
    tpu.enqueue_dma source(%arg2 : memref<1xi32, #tpu.memory_space<hbm>>) target(%arg7 : memref<1xi32, #tpu.memory_space<vmem>>) target_semaphore(%arg8 : memref<!tpu.dma_semaphore, #tpu.memory_space<semaphore_mem>>)
    tpu.wait_dma2 semaphore(%arg8 : memref<!tpu.dma_semaphore, #tpu.memory_space<semaphore_mem>>) src(%arg2 : memref<1xi32, #tpu.memory_space<hbm>>) dst(%arg7 : memref<1xi32, #tpu.memory_space<vmem>>)
    "tpu.region"() ({
      %run_scoped3A = tpu.sem_alloc : memref<!tpu.dma_semaphore, #tpu.memory_space<semaphore_mem>>
      %dma_start3A = arith.constant 0 : i32
      %dma_start3A_7 = arith.constant 0 : i32
      %dma_start3A_8 = tpu.memref_slice %arg4[%dma_start3A, %dma_start3A_7] : memref<4x1024xf32, #tpu.memory_space<hbm>> -> memref<4x1024xf32, #tpu.memory_space<hbm>>
      tpu.enqueue_indirect_dma source(%dma_start3A_8 : memref<4x1024xf32, #tpu.memory_space<hbm>>) target(%arg6 : memref<1x1024xf32, #tpu.memory_space<vmem>>) offsets(%arg7 : memref<1xi32, #tpu.memory_space<vmem>>) semaphore(%run_scoped3A : memref<!tpu.dma_semaphore, #tpu.memory_space<semaphore_mem>>)
      %dma_wait3A = arith.constant 0 : i32
      %dma_wait3A_9 = arith.constant 0 : i32
      %dma_wait3A_10 = tpu.memref_slice %arg4[%dma_wait3A, %dma_wait3A_9] : memref<4x1024xf32, #tpu.memory_space<hbm>> -> memref<4x1024xf32, #tpu.memory_space<hbm>>
      tpu.wait_indirect_dma semaphore(%run_scoped3A : memref<!tpu.dma_semaphore, #tpu.memory_space<semaphore_mem>>) src(%dma_wait3A_10 : memref<4x1024xf32, #tpu.memory_space<hbm>>) dst(%arg6 : memref<1x1024xf32, #tpu.memory_space<vmem>>)
      tpu.yield
    }) : () -> ()
    %mul3A = arith.constant 1 : i32
    %mul3A_0 = arith.muli %arg1, %mul3A : i32
    %add3A = arith.constant 0 : i32
    %add3A_1 = arith.addi %add3A, %mul3A_0 : i32
    %mul3A_2 = arith.constant 16 : i32
    %mul3A_3 = arith.muli %arg0, %mul3A_2 : i32
    %add3A_4 = arith.addi %add3A_1, %mul3A_3 : i32
    %mul3A_5 = arith.constant 32 : i32
    %mul3A_6 = arith.muli %add3A_4, %mul3A_5 : i32
    "tpu.region"() ({
      %run_scoped3A = memref.alloca() : memref<2x16x1024xf32, #tpu.memory_space<vmem>>
      %run_scoped3A_7 = tpu.sem_alloc : memref<2x!tpu.dma_semaphore, #tpu.memory_space<semaphore_mem>>
      %run_scoped3A_8 = memref.alloca() : memref<2x16x1024xf32, #tpu.memory_space<vmem>>
      %run_scoped3A_9 = tpu.sem_alloc : memref<2x!tpu.dma_semaphore, #tpu.memory_space<semaphore_mem>>
      %add3A_10 = arith.constant 0 : i32
      %add3A_11 = arith.addi %add3A_10, %mul3A_6 : i32
      %select_n3A = arith.constant true
      %select_n3A_12 = arith.constant 0 : i32
      %select_n3A_13 = arith.constant -1 : i32
      %select_n3A_14 = arith.select %select_n3A, %select_n3A_13, %select_n3A_12 : i32
      %eq3A = arith.constant -1 : i32
      %eq3A_15 = arith.cmpi eq, %select_n3A_14, %eq3A : i32
      %select_n3A_16 = arith.constant 31 : i32
      %select_n3A_17 = arith.select %eq3A_15, %select_n3A_16, %select_n3A_14 : i32
      %add3A_18 = arith.addi %select_n3A_17, %mul3A_6 : i32
      %select_n3A_19 = arith.constant true
      %select_n3A_20 = arith.constant 0 : i32
      %select_n3A_21 = arith.constant 1 : i32
      %select_n3A_22 = arith.select %select_n3A_19, %select_n3A_21, %select_n3A_20 : i32
      %eq3A_23 = arith.constant 32 : i32
      %eq3A_24 = arith.cmpi eq, %select_n3A_22, %eq3A_23 : i32
      %select_n3A_25 = arith.constant 0 : i32
      %select_n3A_26 = arith.select %eq3A_24, %select_n3A_25, %select_n3A_22 : i32
      %add3A_27 = arith.addi %select_n3A_26, %mul3A_6 : i32
      %add3A_28 = arith.constant 1 : i32
      %add3A_29 = arith.addi %select_n3A_26, %add3A_28 : i32
      %select_n3A_30 = arith.constant true
      %select_n3A_31 = arith.select %select_n3A_30, %add3A_29, %select_n3A_26 : i32
      %eq3A_32 = arith.constant 32 : i32
      %eq3A_33 = arith.cmpi eq, %select_n3A_31, %eq3A_32 : i32
      %select_n3A_34 = arith.constant 0 : i32
      %select_n3A_35 = arith.select %eq3A_33, %select_n3A_34, %select_n3A_31 : i32
      %add3A_36 = arith.addi %select_n3A_35, %mul3A_6 : i32
      "tpu.trace_start"() <{level = 10 : i32, message = "ep_initialize_0"}> : () -> ()
      %rem3A = arith.constant 0 : i32
      %rem3A_37 = arith.constant 2 : i32
      %rem3A_38 = arith.remui %rem3A, %rem3A_37 : i32
      %mul3A_39 = arith.constant 16 : i32
      %mul3A_40 = arith.muli %mul3A_39, %add3A_11 : i32
      %dma_start3A = arith.constant 0 : i32
      %dma_start3A_41 = arith.constant 0 : i32
      %dma_start3A_42 = tpu.memref_slice %run_scoped3A[%rem3A_38, %dma_start3A, %dma_start3A_41] : memref<2x16x1024xf32, #tpu.memory_space<vmem>> -> memref<1x16x1024xf32, #tpu.memory_space<vmem>>
      %dma_start3A_43 = tpu.memref_squeeze %dma_start3A_42 : memref<1x16x1024xf32, #tpu.memory_space<vmem>> -> memref<16x1024xf32, #tpu.memory_space<vmem>>
      %dma_start3A_44 = arith.constant 0 : i32
      %dma_start3A_45 = tpu.memref_slice %arg3[%mul3A_40, %dma_start3A_44] : memref<16384x1024xf32, #tpu.memory_space<hbm>> -> memref<16x1024xf32, #tpu.memory_space<hbm>>
      %dma_start3A_46 = tpu.memref_slice %run_scoped3A_7[%rem3A_38] : memref<2x!tpu.dma_semaphore, #tpu.memory_space<semaphore_mem>> -> memref<1x!tpu.dma_semaphore, #tpu.memory_space<semaphore_mem>>
      %dma_start3A_47 = tpu.memref_squeeze %dma_start3A_46 : memref<1x!tpu.dma_semaphore, #tpu.memory_space<semaphore_mem>> -> memref<!tpu.dma_semaphore, #tpu.memory_space<semaphore_mem>>
      %dma_start3A_48 = arith.constant 0 : i32
      %dma_start3A_49 = arith.constant 0 : i32
      %dma_start3A_50 = tpu.memref_slice %run_scoped3A[%rem3A_38, %dma_start3A_48, %dma_start3A_49] : memref<2x16x1024xf32, #tpu.memory_space<vmem>> -> memref<1x16x1024xf32, #tpu.memory_space<vmem>>
      %dma_start3A_51 = tpu.memref_squeeze %dma_start3A_50 : memref<1x16x1024xf32, #tpu.memory_space<vmem>> -> memref<16x1024xf32, #tpu.memory_space<vmem>>
      %dma_start3A_52 = arith.constant 0 : i32
      %dma_start3A_53 = tpu.memref_slice %arg3[%mul3A_40, %dma_start3A_52] : memref<16384x1024xf32, #tpu.memory_space<hbm>> -> memref<16x1024xf32, #tpu.memory_space<hbm>>
      tpu.enqueue_dma source(%dma_start3A_53 : memref<16x1024xf32, #tpu.memory_space<hbm>>) target(%dma_start3A_51 : memref<16x1024xf32, #tpu.memory_space<vmem>>) target_semaphore(%dma_start3A_47 : memref<!tpu.dma_semaphore, #tpu.memory_space<semaphore_mem>>)
      %add3A_54 = arith.constant 0 : i32
      %add3A_55 = arith.constant 1 : i32
      %add3A_56 = arith.addi %add3A_54, %add3A_55 : i32
      %select_n3A_57 = arith.constant true
      %select_n3A_58 = arith.constant 0 : i32
      %select_n3A_59 = arith.select %select_n3A_57, %add3A_56, %select_n3A_58 : i32
      "tpu.trace_stop"() : () -> ()
      %scan3A = arith.constant 0 : i32
      %scan3A_60 = arith.constant 0 : i32
      %scan3A_61 = arith.constant 0 : i32
      %scan3A_62 = arith.constant 0 : i32
      %scan3A_63 = arith.constant 0 : i32
      %scan3A_64 = arith.constant 32 : i32
      %scan3A_65 = arith.addi %scan3A_63, %scan3A_64 : i32
      %scan3A_66 = arith.constant 1 : i32
      %scan3A_67:5 = scf.for %scan3A_121 = %scan3A_63 to %scan3A_65 step %scan3A_66 iter_args(%scan3A_122 = %select_n3A_59, %scan3A_123 = %scan3A, %scan3A_124 = %scan3A_60, %scan3A_125 = %scan3A_61, %scan3A_126 = %scan3A_62) -> (i32, i32, i32, i32, i32)  : i32 {
        %eq3A_127 = arith.constant 0 : i32
        %eq3A_128 = arith.cmpi eq, %scan3A_121, %eq3A_127 : i32
        %eq3A_129 = arith.constant 31 : i32
        %eq3A_130 = arith.cmpi eq, %scan3A_121, %eq3A_129 : i32
        %add3A_131 = arith.addi %scan3A_126, %mul3A_6 : i32
        %sub3A_132 = arith.constant 1 : i32
        %sub3A_133 = arith.subi %scan3A_126, %sub3A_132 : i32
        %select_n3A_134 = arith.constant true
        %select_n3A_135 = arith.select %select_n3A_134, %sub3A_133, %scan3A_126 : i32
        %eq3A_136 = arith.constant -1 : i32
        %eq3A_137 = arith.cmpi eq, %select_n3A_135, %eq3A_136 : i32
        %select_n3A_138 = arith.constant 31 : i32
        %select_n3A_139 = arith.select %eq3A_137, %select_n3A_138, %select_n3A_135 : i32
        %add3A_140 = arith.addi %select_n3A_139, %mul3A_6 : i32
        %add3A_141 = arith.constant 1 : i32
        %add3A_142 = arith.addi %scan3A_126, %add3A_141 : i32
        %select_n3A_143 = arith.constant true
        %select_n3A_144 = arith.select %select_n3A_143, %add3A_142, %scan3A_126 : i32
        %eq3A_145 = arith.constant 32 : i32
        %eq3A_146 = arith.cmpi eq, %select_n3A_144, %eq3A_145 : i32
        %select_n3A_147 = arith.constant 0 : i32
        %select_n3A_148 = arith.select %eq3A_146, %select_n3A_147, %select_n3A_144 : i32
        %add3A_149 = arith.addi %select_n3A_148, %mul3A_6 : i32
        %add3A_150 = arith.constant 1 : i32
        %add3A_151 = arith.addi %select_n3A_148, %add3A_150 : i32
        %select_n3A_152 = arith.constant true
        %select_n3A_153 = arith.select %select_n3A_152, %add3A_151, %select_n3A_148 : i32
        %eq3A_154 = arith.constant 32 : i32
        %eq3A_155 = arith.cmpi eq, %select_n3A_153, %eq3A_154 : i32
        %select_n3A_156 = arith.constant 0 : i32
        %select_n3A_157 = arith.select %eq3A_155, %select_n3A_156, %select_n3A_153 : i32
        %add3A_158 = arith.addi %select_n3A_157, %mul3A_6 : i32
        %ne3A = arith.cmpi ne, %add3A_131, %add3A_149 : i32
        %or3A = arith.constant false
        %or3A_159 = arith.ori %or3A, %ne3A : i1
        %or3A_160 = arith.constant false
        %or3A_161 = arith.ori %or3A_159, %or3A_160 : i1
        %ge3A = arith.constant 31 : i32
        %ge3A_162 = arith.cmpi sge, %scan3A_121, %ge3A : i32
        %not3A = arith.constant true
        %not3A_163 = arith.xori %ge3A_162, %not3A : i1
        %and3A = arith.andi %or3A_161, %not3A_163 : i1
        %convert_element_type3A = arith.extui %and3A : i1 to i32
        %cond3A = arith.constant 0 : i32
        %cond3A_164 = arith.cmpi ne, %convert_element_type3A, %cond3A : i32
        scf.if %cond3A_164 {
          "tpu.trace_start"() <{level = 10 : i32, message = "ep_copy_in"}> : () -> ()
          %rem3A_278 = arith.constant 2 : i32
          %rem3A_279 = arith.remui %scan3A_122, %rem3A_278 : i32
          %mul3A_280 = arith.constant 16 : i32
          %mul3A_281 = arith.muli %mul3A_280, %add3A_149 : i32
          %dma_start3A_282 = arith.constant 0 : i32
          %dma_start3A_283 = arith.constant 0 : i32
          %dma_start3A_284 = tpu.memref_slice %run_scoped3A[%rem3A_279, %dma_start3A_282, %dma_start3A_283] : memref<2x16x1024xf32, #tpu.memory_space<vmem>> -> memref<1x16x1024xf32, #tpu.memory_space<vmem>>
          %dma_start3A_285 = tpu.memref_squeeze %dma_start3A_284 : memref<1x16x1024xf32, #tpu.memory_space<vmem>> -> memref<16x1024xf32, #tpu.memory_space<vmem>>
          %dma_start3A_286 = arith.constant 0 : i32
          %dma_start3A_287 = tpu.memref_slice %arg3[%mul3A_281, %dma_start3A_286] : memref<16384x1024xf32, #tpu.memory_space<hbm>> -> memref<16x1024xf32, #tpu.memory_space<hbm>>
          %dma_start3A_288 = tpu.memref_slice %run_scoped3A_7[%rem3A_279] : memref<2x!tpu.dma_semaphore, #tpu.memory_space<semaphore_mem>> -> memref<1x!tpu.dma_semaphore, #tpu.memory_space<semaphore_mem>>
          %dma_start3A_289 = tpu.memref_squeeze %dma_start3A_288 : memref<1x!tpu.dma_semaphore, #tpu.memory_space<semaphore_mem>> -> memref<!tpu.dma_semaphore, #tpu.memory_space<semaphore_mem>>
          %dma_start3A_290 = arith.constant 0 : i32
          %dma_start3A_291 = arith.constant 0 : i32
          %dma_start3A_292 = tpu.memref_slice %run_scoped3A[%rem3A_279, %dma_start3A_290, %dma_start3A_291] : memref<2x16x1024xf32, #tpu.memory_space<vmem>> -> memref<1x16x1024xf32, #tpu.memory_space<vmem>>
          %dma_start3A_293 = tpu.memref_squeeze %dma_start3A_292 : memref<1x16x1024xf32, #tpu.memory_space<vmem>> -> memref<16x1024xf32, #tpu.memory_space<vmem>>
          %dma_start3A_294 = arith.constant 0 : i32
          %dma_start3A_295 = tpu.memref_slice %arg3[%mul3A_281, %dma_start3A_294] : memref<16384x1024xf32, #tpu.memory_space<hbm>> -> memref<16x1024xf32, #tpu.memory_space<hbm>>
          tpu.enqueue_dma source(%dma_start3A_295 : memref<16x1024xf32, #tpu.memory_space<hbm>>) target(%dma_start3A_293 : memref<16x1024xf32, #tpu.memory_space<vmem>>) target_semaphore(%dma_start3A_289 : memref<!tpu.dma_semaphore, #tpu.memory_space<semaphore_mem>>)
          "tpu.trace_stop"() : () -> ()
        } else {
        }
        %and3A_165 = arith.constant true
        %and3A_166 = arith.andi %and3A, %and3A_165 : i1
        %add3A_167 = arith.constant 1 : i32
        %add3A_168 = arith.addi %scan3A_122, %add3A_167 : i32
        %select_n3A_169 = arith.select %and3A_166, %add3A_168, %scan3A_122 : i32
        %ne3A_170 = arith.cmpi ne, %add3A_131, %add3A_149 : i32
        %or3A_171 = arith.constant false
        %or3A_172 = arith.ori %or3A_171, %ne3A_170 : i1
        %or3A_173 = arith.constant false
        %or3A_174 = arith.ori %or3A_172, %or3A_173 : i1
        %ge3A_175 = arith.constant 31 : i32
        %ge3A_176 = arith.cmpi sge, %scan3A_121, %ge3A_175 : i32
        %not3A_177 = arith.constant true
        %not3A_178 = arith.xori %ge3A_176, %not3A_177 : i1
        %and3A_179 = arith.andi %or3A_174, %not3A_178 : i1
        %ne3A_180 = arith.cmpi ne, %add3A_131, %add3A_140 : i32
        %or3A_181 = arith.constant false
        %or3A_182 = arith.ori %or3A_181, %ne3A_180 : i1
        %or3A_183 = arith.constant false
        %or3A_184 = arith.ori %or3A_182, %or3A_183 : i1
        %or3A_185 = arith.ori %or3A_184, %eq3A_128 : i1
        %convert_element_type3A_186 = arith.extui %or3A_185 : i1 to i32
        %cond3A_187 = arith.constant 0 : i32
        %cond3A_188 = arith.cmpi ne, %convert_element_type3A_186, %cond3A_187 : i32
        scf.if %cond3A_188 {
          "tpu.trace_start"() <{level = 10 : i32, message = "ep_wait_in"}> : () -> ()
          %mul3A_278 = arith.constant 16 : i32
          %mul3A_279 = arith.muli %mul3A_278, %add3A_131 : i32
          %rem3A_280 = arith.constant 2 : i32
          %rem3A_281 = arith.remui %scan3A_123, %rem3A_280 : i32
          %dma_wait3A_282 = arith.constant 0 : i32
          %dma_wait3A_283 = arith.constant 0 : i32
          %dma_wait3A_284 = tpu.memref_slice %run_scoped3A[%rem3A_281, %dma_wait3A_282, %dma_wait3A_283] : memref<2x16x1024xf32, #tpu.memory_space<vmem>> -> memref<1x16x1024xf32, #tpu.memory_space<vmem>>
          %dma_wait3A_285 = tpu.memref_squeeze %dma_wait3A_284 : memref<1x16x1024xf32, #tpu.memory_space<vmem>> -> memref<16x1024xf32, #tpu.memory_space<vmem>>
          %dma_wait3A_286 = arith.constant 0 : i32
          %dma_wait3A_287 = tpu.memref_slice %arg3[%mul3A_279, %dma_wait3A_286] : memref<16384x1024xf32, #tpu.memory_space<hbm>> -> memref<16x1024xf32, #tpu.memory_space<hbm>>
          %dma_wait3A_288 = tpu.memref_slice %run_scoped3A_7[%rem3A_281] : memref<2x!tpu.dma_semaphore, #tpu.memory_space<semaphore_mem>> -> memref<1x!tpu.dma_semaphore, #tpu.memory_space<semaphore_mem>>
          %dma_wait3A_289 = tpu.memref_squeeze %dma_wait3A_288 : memref<1x!tpu.dma_semaphore, #tpu.memory_space<semaphore_mem>> -> memref<!tpu.dma_semaphore, #tpu.memory_space<semaphore_mem>>
          %dma_wait3A_290 = arith.constant 0 : i32
          %dma_wait3A_291 = arith.constant 0 : i32
          %dma_wait3A_292 = tpu.memref_slice %run_scoped3A[%rem3A_281, %dma_wait3A_290, %dma_wait3A_291] : memref<2x16x1024xf32, #tpu.memory_space<vmem>> -> memref<1x16x1024xf32, #tpu.memory_space<vmem>>
          %dma_wait3A_293 = tpu.memref_squeeze %dma_wait3A_292 : memref<1x16x1024xf32, #tpu.memory_space<vmem>> -> memref<16x1024xf32, #tpu.memory_space<vmem>>
          %dma_wait3A_294 = arith.constant 0 : i32
          %dma_wait3A_295 = tpu.memref_slice %arg3[%mul3A_279, %dma_wait3A_294] : memref<16384x1024xf32, #tpu.memory_space<hbm>> -> memref<16x1024xf32, #tpu.memory_space<hbm>>
          tpu.wait_dma2 semaphore(%dma_wait3A_289 : memref<!tpu.dma_semaphore, #tpu.memory_space<semaphore_mem>>) src(%dma_wait3A_295 : memref<16x1024xf32, #tpu.memory_space<hbm>>) dst(%dma_wait3A_293 : memref<16x1024xf32, #tpu.memory_space<vmem>>)
          "tpu.trace_stop"() : () -> ()
        } else {
        }
        %ne3A_189 = arith.cmpi ne, %add3A_131, %add3A_140 : i32
        %or3A_190 = arith.constant false
        %or3A_191 = arith.ori %or3A_190, %ne3A_189 : i1
        %or3A_192 = arith.constant false
        %or3A_193 = arith.ori %or3A_191, %or3A_192 : i1
        %or3A_194 = arith.ori %or3A_193, %eq3A_128 : i1
        %convert_element_type3A_195 = arith.extui %or3A_194 : i1 to i32
        %cond3A_196 = arith.constant 0 : i32
        %cond3A_197 = arith.cmpi ne, %convert_element_type3A_195, %cond3A_196 : i32
        scf.if %cond3A_197 {
        } else {
        }
        %rem3A_198 = arith.constant 2 : i32
        %rem3A_199 = arith.remui %scan3A_123, %rem3A_198 : i32
        %rem3A_200 = arith.constant 2 : i32
        %rem3A_201 = arith.remui %scan3A_124, %rem3A_200 : i32
        "tpu.trace_start"() <{level = 10 : i32, message = "ep_run_kernel"}> : () -> ()
        %scan3A_202 = arith.constant 0 : i32
        %scan3A_203 = arith.constant 16 : i32
        %scan3A_204 = arith.addi %scan3A_202, %scan3A_203 : i32
        %scan3A_205 = arith.constant 1 : i32
        scf.for %scan3A_278 = %scan3A_202 to %scan3A_204 step %scan3A_205  : i32 {
          %mul3A_279 = arith.constant 1 : i32
          %mul3A_280 = arith.muli %scan3A_278, %mul3A_279 : i32
          %add3A_281 = arith.constant 0 : i32
          %add3A_282 = arith.addi %add3A_281, %mul3A_280 : i32
          %scan3A_283 = arith.constant 0 : i32
          %scan3A_284 = arith.constant 64 : i32
          %scan3A_285 = arith.addi %scan3A_283, %scan3A_284 : i32
          %scan3A_286 = arith.constant 1 : i32
          scf.for %scan3A_288 = %scan3A_283 to %scan3A_285 step %scan3A_286  : i32 {
            %mul3A_289 = arith.constant 16 : i32
            %mul3A_290 = arith.muli %scan3A_288, %mul3A_289 : i32
            %add3A_291 = arith.constant 0 : i32
            %add3A_292 = arith.addi %add3A_291, %mul3A_290 : i32
            %get3A = arith.constant 0 : i32
            %get3A_293 = arith.constant 0 : i32
            %get3A_294 = tpu.memref_slice %run_scoped3A[%rem3A_199, %get3A, %get3A_293] : memref<2x16x1024xf32, #tpu.memory_space<vmem>> -> memref<1x16x1024xf32, #tpu.memory_space<vmem>>
            %get3A_295 = tpu.memref_squeeze %get3A_294 : memref<1x16x1024xf32, #tpu.memory_space<vmem>> -> memref<16x1024xf32, #tpu.memory_space<vmem>>
            %get3A_296 = arith.index_cast %add3A_282 : i32 to index
            %get3A_297 = arith.index_cast %add3A_292 : i32 to index
            %get3A_298 = tpu.vector_load %get3A_295[%get3A_296, %get3A_297] {strides = array<i32>} : memref<16x1024xf32, #tpu.memory_space<vmem>>, vector<1x16xf32>,
            %get3A_299 = vector.shape_cast %get3A_298 : vector<1x16xf32> to vector<16xf32>
            %get3A_300 = arith.constant 0 : i32
            %get3A_301 = arith.index_cast %get3A_300 : i32 to index
            %get3A_302 = arith.index_cast %add3A_292 : i32 to index
            %get3A_303 = tpu.vector_load %arg6[%get3A_301, %get3A_302] {strides = array<i32>} : memref<1x1024xf32, #tpu.memory_space<vmem>>, vector<1x16xf32>,
            %get3A_304 = vector.shape_cast %get3A_303 : vector<1x16xf32> to vector<16xf32>
            %add3A_305 = arith.addf %get3A_299, %get3A_304 : vector<16xf32>
            %swap3A = arith.constant 0 : i32
            %swap3A_306 = arith.constant 0 : i32
            %swap3A_307 = tpu.memref_slice %run_scoped3A_8[%rem3A_201, %swap3A, %swap3A_306] : memref<2x16x1024xf32, #tpu.memory_space<vmem>> -> memref<1x16x1024xf32, #tpu.memory_space<vmem>>
            %swap3A_308 = tpu.memref_squeeze %swap3A_307 : memref<1x16x1024xf32, #tpu.memory_space<vmem>> -> memref<16x1024xf32, #tpu.memory_space<vmem>>
            %swap3A_309 = arith.index_cast %add3A_282 : i32 to index
            %swap3A_310 = arith.index_cast %add3A_292 : i32 to index
            %swap3A_311 = tpu.vector_load %swap3A_308[%swap3A_309, %swap3A_310] {strides = array<i32>} : memref<16x1024xf32, #tpu.memory_space<vmem>>, vector<1x16xf32>,
            %swap3A_312 = vector.shape_cast %swap3A_311 : vector<1x16xf32> to vector<16xf32>
            %swap3A_313 = vector.shape_cast %add3A_305 : vector<16xf32> to vector<1x16xf32>
            tpu.vector_store %swap3A_308[%swap3A_309, %swap3A_310], %swap3A_313 {strides = array<i32>} : memref<16x1024xf32, #tpu.memory_space<vmem>>, vector<1x16xf32>,
          }
          %scan3A_287 = arith.constant 64 : i32
        }
        %scan3A_206 = arith.constant 16 : i32
        "tpu.trace_stop"() : () -> ()
        %ne3A_207 = arith.cmpi ne, %add3A_131, %add3A_149 : i32
        %or3A_208 = arith.constant false
        %or3A_209 = arith.ori %or3A_208, %ne3A_207 : i1
        %or3A_210 = arith.constant false
        %or3A_211 = arith.ori %or3A_209, %or3A_210 : i1
        %or3A_212 = arith.ori %or3A_211, %eq3A_130 : i1
        %convert_element_type3A_213 = arith.extui %or3A_212 : i1 to i32
        %cond3A_214 = arith.constant 0 : i32
        %cond3A_215 = arith.cmpi ne, %convert_element_type3A_213, %cond3A_214 : i32
        scf.if %cond3A_215 {
        } else {
        }
        %and3A_216 = arith.constant false
        %and3A_217 = arith.andi %or3A_212, %and3A_216 : i1
        %ne3A_218 = arith.cmpi ne, %add3A_131, %add3A_149 : i32
        %or3A_219 = arith.constant false
        %or3A_220 = arith.ori %or3A_219, %ne3A_218 : i1
        %or3A_221 = arith.constant false
        %or3A_222 = arith.ori %or3A_220, %or3A_221 : i1
        %or3A_223 = arith.ori %or3A_222, %eq3A_130 : i1
        %convert_element_type3A_224 = arith.extui %or3A_223 : i1 to i32
        %cond3A_225 = arith.constant 0 : i32
        %cond3A_226 = arith.cmpi ne, %convert_element_type3A_224, %cond3A_225 : i32
        scf.if %cond3A_226 {
          "tpu.trace_start"() <{level = 10 : i32, message = "ep_copy_out"}> : () -> ()
          %rem3A_278 = arith.constant 2 : i32
          %rem3A_279 = arith.remui %scan3A_124, %rem3A_278 : i32
          %mul3A_280 = arith.constant 16 : i32
          %mul3A_281 = arith.muli %mul3A_280, %add3A_131 : i32
          %dma_start3A_282 = arith.constant 0 : i32
          %dma_start3A_283 = arith.constant 0 : i32
          %dma_start3A_284 = tpu.memref_slice %run_scoped3A_8[%rem3A_279, %dma_start3A_282, %dma_start3A_283] : memref<2x16x1024xf32, #tpu.memory_space<vmem>> -> memref<1x16x1024xf32, #tpu.memory_space<vmem>>
          %dma_start3A_285 = tpu.memref_squeeze %dma_start3A_284 : memref<1x16x1024xf32, #tpu.memory_space<vmem>> -> memref<16x1024xf32, #tpu.memory_space<vmem>>
          %dma_start3A_286 = arith.constant 0 : i32
          %dma_start3A_287 = tpu.memref_slice %arg5[%mul3A_281, %dma_start3A_286] : memref<16384x1024xf32, #tpu.memory_space<hbm>> -> memref<16x1024xf32, #tpu.memory_space<hbm>>
          %dma_start3A_288 = tpu.memref_slice %run_scoped3A_9[%rem3A_279] : memref<2x!tpu.dma_semaphore, #tpu.memory_space<semaphore_mem>> -> memref<1x!tpu.dma_semaphore, #tpu.memory_space<semaphore_mem>>
          %dma_start3A_289 = tpu.memref_squeeze %dma_start3A_288 : memref<1x!tpu.dma_semaphore, #tpu.memory_space<semaphore_mem>> -> memref<!tpu.dma_semaphore, #tpu.memory_space<semaphore_mem>>
          %dma_start3A_290 = arith.constant 0 : i32
          %dma_start3A_291 = tpu.memref_slice %arg5[%mul3A_281, %dma_start3A_290] : memref<16384x1024xf32, #tpu.memory_space<hbm>> -> memref<16x1024xf32, #tpu.memory_space<hbm>>
          %dma_start3A_292 = arith.constant 0 : i32
          %dma_start3A_293 = arith.constant 0 : i32
          %dma_start3A_294 = tpu.memref_slice %run_scoped3A_8[%rem3A_279, %dma_start3A_292, %dma_start3A_293] : memref<2x16x1024xf32, #tpu.memory_space<vmem>> -> memref<1x16x1024xf32, #tpu.memory_space<vmem>>
          %dma_start3A_295 = tpu.memref_squeeze %dma_start3A_294 : memref<1x16x1024xf32, #tpu.memory_space<vmem>> -> memref<16x1024xf32, #tpu.memory_space<vmem>>
          tpu.enqueue_dma source(%dma_start3A_295 : memref<16x1024xf32, #tpu.memory_space<vmem>>) target(%dma_start3A_291 : memref<16x1024xf32, #tpu.memory_space<hbm>>) target_semaphore(%dma_start3A_289 : memref<!tpu.dma_semaphore, #tpu.memory_space<semaphore_mem>>)
          "tpu.trace_stop"() : () -> ()
        } else {
        }
        %and3A_227 = arith.constant true
        %and3A_228 = arith.andi %or3A_223, %and3A_227 : i1
        %add3A_229 = arith.constant 1 : i32
        %add3A_230 = arith.addi %scan3A_124, %add3A_229 : i32
        %select_n3A_231 = arith.select %and3A_228, %add3A_230, %scan3A_124 : i32
        %ne3A_232 = arith.cmpi ne, %add3A_131, %add3A_140 : i32
        %or3A_233 = arith.constant false
        %or3A_234 = arith.ori %or3A_233, %ne3A_232 : i1
        %or3A_235 = arith.constant false
        %or3A_236 = arith.ori %or3A_234, %or3A_235 : i1
        %not3A_237 = arith.constant true
        %not3A_238 = arith.xori %eq3A_128, %not3A_237 : i1
        %and3A_239 = arith.andi %or3A_236, %not3A_238 : i1
        %convert_element_type3A_240 = arith.extui %and3A_239 : i1 to i32
        %cond3A_241 = arith.constant 0 : i32
        %cond3A_242 = arith.cmpi ne, %convert_element_type3A_240, %cond3A_241 : i32
        scf.if %cond3A_242 {
        } else {
        }
        %and3A_243 = arith.constant false
        %and3A_244 = arith.andi %and3A_239, %and3A_243 : i1
        %ne3A_245 = arith.cmpi ne, %add3A_131, %add3A_140 : i32
        %or3A_246 = arith.constant false
        %or3A_247 = arith.ori %or3A_246, %ne3A_245 : i1
        %or3A_248 = arith.constant false
        %or3A_249 = arith.ori %or3A_247, %or3A_248 : i1
        %not3A_250 = arith.constant true
        %not3A_251 = arith.xori %eq3A_128, %not3A_250 : i1
        %and3A_252 = arith.andi %or3A_249, %not3A_251 : i1
        %convert_element_type3A_253 = arith.extui %and3A_252 : i1 to i32
        %cond3A_254 = arith.constant 0 : i32
        %cond3A_255 = arith.cmpi ne, %convert_element_type3A_253, %cond3A_254 : i32
        scf.if %cond3A_255 {
          "tpu.trace_start"() <{level = 10 : i32, message = "ep_wait_out"}> : () -> ()
          %rem3A_278 = arith.constant 2 : i32
          %rem3A_279 = arith.remui %scan3A_125, %rem3A_278 : i32
          %mul3A_280 = arith.constant 16 : i32
          %mul3A_281 = arith.muli %mul3A_280, %add3A_140 : i32
          %dma_wait3A_282 = arith.constant 0 : i32
          %dma_wait3A_283 = arith.constant 0 : i32
          %dma_wait3A_284 = tpu.memref_slice %run_scoped3A_8[%rem3A_279, %dma_wait3A_282, %dma_wait3A_283] : memref<2x16x1024xf32, #tpu.memory_space<vmem>> -> memref<1x16x1024xf32, #tpu.memory_space<vmem>>
          %dma_wait3A_285 = tpu.memref_squeeze %dma_wait3A_284 : memref<1x16x1024xf32, #tpu.memory_space<vmem>> -> memref<16x1024xf32, #tpu.memory_space<vmem>>
          %dma_wait3A_286 = arith.constant 0 : i32
          %dma_wait3A_287 = tpu.memref_slice %arg5[%mul3A_281, %dma_wait3A_286] : memref<16384x1024xf32, #tpu.memory_space<hbm>> -> memref<16x1024xf32, #tpu.memory_space<hbm>>
          %dma_wait3A_288 = tpu.memref_slice %run_scoped3A_9[%rem3A_279] : memref<2x!tpu.dma_semaphore, #tpu.memory_space<semaphore_mem>> -> memref<1x!tpu.dma_semaphore, #tpu.memory_space<semaphore_mem>>
          %dma_wait3A_289 = tpu.memref_squeeze %dma_wait3A_288 : memref<1x!tpu.dma_semaphore, #tpu.memory_space<semaphore_mem>> -> memref<!tpu.dma_semaphore, #tpu.memory_space<semaphore_mem>>
          %dma_wait3A_290 = arith.constant 0 : i32
          %dma_wait3A_291 = tpu.memref_slice %arg5[%mul3A_281, %dma_wait3A_290] : memref<16384x1024xf32, #tpu.memory_space<hbm>> -> memref<16x1024xf32, #tpu.memory_space<hbm>>
          %dma_wait3A_292 = arith.constant 0 : i32
          %dma_wait3A_293 = arith.constant 0 : i32
          %dma_wait3A_294 = tpu.memref_slice %run_scoped3A_8[%rem3A_279, %dma_wait3A_292, %dma_wait3A_293] : memref<2x16x1024xf32, #tpu.memory_space<vmem>> -> memref<1x16x1024xf32, #tpu.memory_space<vmem>>
          %dma_wait3A_295 = tpu.memref_squeeze %dma_wait3A_294 : memref<1x16x1024xf32, #tpu.memory_space<vmem>> -> memref<16x1024xf32, #tpu.memory_space<vmem>>
          tpu.wait_dma2 semaphore(%dma_wait3A_289 : memref<!tpu.dma_semaphore, #tpu.memory_space<semaphore_mem>>) src(%dma_wait3A_295 : memref<16x1024xf32, #tpu.memory_space<vmem>>) dst(%dma_wait3A_291 : memref<16x1024xf32, #tpu.memory_space<hbm>>)
          "tpu.trace_stop"() : () -> ()
        } else {
        }
        %and3A_256 = arith.constant true
        %and3A_257 = arith.andi %and3A_252, %and3A_256 : i1
        %add3A_258 = arith.constant 1 : i32
        %add3A_259 = arith.addi %scan3A_125, %add3A_258 : i32
        %select_n3A_260 = arith.select %and3A_257, %add3A_259, %scan3A_125 : i32
        %ne3A_261 = arith.cmpi ne, %add3A_131, %add3A_149 : i32
        %or3A_262 = arith.constant false
        %or3A_263 = arith.ori %or3A_262, %ne3A_261 : i1
        %or3A_264 = arith.constant false
        %or3A_265 = arith.ori %or3A_263, %or3A_264 : i1
        %or3A_266 = arith.ori %or3A_265, %eq3A_130 : i1
        %add3A_267 = arith.constant 1 : i32
        %add3A_268 = arith.addi %scan3A_123, %add3A_267 : i32
        %select_n3A_269 = arith.select %or3A_266, %add3A_268, %scan3A_123 : i32
        %add3A_270 = arith.constant 1 : i32
        %add3A_271 = arith.addi %scan3A_126, %add3A_270 : i32
        %select_n3A_272 = arith.constant true
        %select_n3A_273 = arith.select %select_n3A_272, %add3A_271, %scan3A_126 : i32
        %eq3A_274 = arith.constant 32 : i32
        %eq3A_275 = arith.cmpi eq, %select_n3A_273, %eq3A_274 : i32
        %select_n3A_276 = arith.constant 0 : i32
        %select_n3A_277 = arith.select %eq3A_275, %select_n3A_276, %select_n3A_273 : i32
        scf.yield %select_n3A_169, %select_n3A_269, %select_n3A_231, %select_n3A_260, %select_n3A_277 : i32, i32, i32, i32, i32
      }
      %scan3A_68 = arith.constant 32 : i32
      %sub3A = arith.constant 1 : i32
      %sub3A_69 = arith.subi %scan3A_67#4, %sub3A : i32
      %select_n3A_70 = arith.constant true
      %select_n3A_71 = arith.select %select_n3A_70, %sub3A_69, %scan3A_67#4 : i32
      %eq3A_72 = arith.constant -1 : i32
      %eq3A_73 = arith.cmpi eq, %select_n3A_71, %eq3A_72 : i32
      %select_n3A_74 = arith.constant 31 : i32
      %select_n3A_75 = arith.select %eq3A_73, %select_n3A_74, %select_n3A_71 : i32
      %add3A_76 = arith.addi %select_n3A_75, %mul3A_6 : i32
      %sub3A_77 = arith.constant 1 : i32
      %sub3A_78 = arith.subi %select_n3A_75, %sub3A_77 : i32
      %select_n3A_79 = arith.constant true
      %select_n3A_80 = arith.select %select_n3A_79, %sub3A_78, %select_n3A_75 : i32
      %eq3A_81 = arith.constant -1 : i32
      %eq3A_82 = arith.cmpi eq, %select_n3A_80, %eq3A_81 : i32
      %select_n3A_83 = arith.constant 31 : i32
      %select_n3A_84 = arith.select %eq3A_82, %select_n3A_83, %select_n3A_80 : i32
      %add3A_85 = arith.addi %select_n3A_84, %mul3A_6 : i32
      %add3A_86 = arith.constant 1 : i32
      %add3A_87 = arith.addi %select_n3A_75, %add3A_86 : i32
      %select_n3A_88 = arith.constant true
      %select_n3A_89 = arith.select %select_n3A_88, %add3A_87, %select_n3A_75 : i32
      %eq3A_90 = arith.constant 32 : i32
      %eq3A_91 = arith.cmpi eq, %select_n3A_89, %eq3A_90 : i32
      %select_n3A_92 = arith.constant 0 : i32
      %select_n3A_93 = arith.select %eq3A_91, %select_n3A_92, %select_n3A_89 : i32
      %add3A_94 = arith.addi %select_n3A_93, %mul3A_6 : i32
      %add3A_95 = arith.constant 1 : i32
      %add3A_96 = arith.addi %select_n3A_93, %add3A_95 : i32
      %select_n3A_97 = arith.constant true
      %select_n3A_98 = arith.select %select_n3A_97, %add3A_96, %select_n3A_93 : i32
      %eq3A_99 = arith.constant 32 : i32
      %eq3A_100 = arith.cmpi eq, %select_n3A_98, %eq3A_99 : i32
      %select_n3A_101 = arith.constant 0 : i32
      %select_n3A_102 = arith.select %eq3A_100, %select_n3A_101, %select_n3A_98 : i32
      %add3A_103 = arith.addi %select_n3A_102, %mul3A_6 : i32
      "tpu.trace_start"() <{level = 10 : i32, message = "ep_finalize"}> : () -> ()
      %rem3A_104 = arith.constant 2 : i32
      %rem3A_105 = arith.remui %scan3A_67#3, %rem3A_104 : i32
      %mul3A_106 = arith.constant 16 : i32
      %mul3A_107 = arith.muli %mul3A_106, %add3A_76 : i32
      %dma_wait3A = arith.constant 0 : i32
      %dma_wait3A_108 = arith.constant 0 : i32
      %dma_wait3A_109 = tpu.memref_slice %run_scoped3A_8[%rem3A_105, %dma_wait3A, %dma_wait3A_108] : memref<2x16x1024xf32, #tpu.memory_space<vmem>> -> memref<1x16x1024xf32, #tpu.memory_space<vmem>>
      %dma_wait3A_110 = tpu.memref_squeeze %dma_wait3A_109 : memref<1x16x1024xf32, #tpu.memory_space<vmem>> -> memref<16x1024xf32, #tpu.memory_space<vmem>>
      %dma_wait3A_111 = arith.constant 0 : i32
      %dma_wait3A_112 = tpu.memref_slice %arg5[%mul3A_107, %dma_wait3A_111] : memref<16384x1024xf32, #tpu.memory_space<hbm>> -> memref<16x1024xf32, #tpu.memory_space<hbm>>
      %dma_wait3A_113 = tpu.memref_slice %run_scoped3A_9[%rem3A_105] : memref<2x!tpu.dma_semaphore, #tpu.memory_space<semaphore_mem>> -> memref<1x!tpu.dma_semaphore, #tpu.memory_space<semaphore_mem>>
      %dma_wait3A_114 = tpu.memref_squeeze %dma_wait3A_113 : memref<1x!tpu.dma_semaphore, #tpu.memory_space<semaphore_mem>> -> memref<!tpu.dma_semaphore, #tpu.memory_space<semaphore_mem>>
      %dma_wait3A_115 = arith.constant 0 : i32
      %dma_wait3A_116 = tpu.memref_slice %arg5[%mul3A_107, %dma_wait3A_115] : memref<16384x1024xf32, #tpu.memory_space<hbm>> -> memref<16x1024xf32, #tpu.memory_space<hbm>>
      %dma_wait3A_117 = arith.constant 0 : i32
      %dma_wait3A_118 = arith.constant 0 : i32
      %dma_wait3A_119 = tpu.memref_slice %run_scoped3A_8[%rem3A_105, %dma_wait3A_117, %dma_wait3A_118] : memref<2x16x1024xf32, #tpu.memory_space<vmem>> -> memref<1x16x1024xf32, #tpu.memory_space<vmem>>
      %dma_wait3A_120 = tpu.memref_squeeze %dma_wait3A_119 : memref<1x16x1024xf32, #tpu.memory_space<vmem>> -> memref<16x1024xf32, #tpu.memory_space<vmem>>
      tpu.wait_dma2 semaphore(%dma_wait3A_114 : memref<!tpu.dma_semaphore, #tpu.memory_space<semaphore_mem>>) src(%dma_wait3A_120 : memref<16x1024xf32, #tpu.memory_space<vmem>>) dst(%dma_wait3A_116 : memref<16x1024xf32, #tpu.memory_space<hbm>>)
      "tpu.trace_stop"() : () -> ()
      tpu.yield
    }) : () -> ()
    return
  }
}

</mosaic_0001>

<sc_bundles>
// kernel: kernel.3.cloned.1.call-start
scs
__scs_entry_jumppad:
0x0: {  	(pc) =	sbr.rel $0x88, $3  }
0x1: {  	(tag) =	ssettag $0x0;
	lr =	simm.s32 $0x1  }
0x2: {  	[smem:$0x3F9E] =	sst lr;
	_ =	strace $0xD0000000  }
0x3: {  	_ = 	snop  }
0x4: {  	_ = 	snop  }
0x5: {  	_ = 	snop  }
0x6: {  	_ = 	snop  }
0x7: {  	_ = 	snop  }
__scs_overlays_trampoline_lowered:
0x8: {  	[smem:$0x3FAD] =	sst s0  }
0x9: {  	[smem:$0x3FAE] =	sst s1  }
0xa: {  	[smem:$0x3FAF] =	sst s2  }
0xb: {  	[smem:$0x3FB0] =	sst s3  }
0xc: {  	[smem:$0x3FB1] =	sst s4  }
0xd: {  	[smem:$0x3FB2] =	sst s5  }
0xe: {  	[smem:$0x3FB3] =	sst s6  }
0xf: {  	[smem:$0x3FB4] =	sst s7  }
0x10: {  	[smem:$0x3FB5] =	sst s8  }
0x11: {  	[smem:$0x3FB6] =	sst s9;
	s0 =	simm.s32 @!p0 $0x0  }
0x12: {  	s1 =	sld [smem:$0x3F9C];
	s0 =	simm.s32 @p0 $0x1  }
0x13: {  	[smem:$0x3FB7] =	sst s0;
	s0 =	simm.s32 @!p1 $0x0  }
0x14: {  	s2 =	sld [smem:$0x3F9B];
	s0 =	simm.s32 @p1 $0x1  }
0x15: {  	[smem:$0x3FB8] =	sst s0;
	s0 =	simm.s32 @!p2 $0x0  }
0x16: {  	s3 =	sld [smem:$0x3FDB];
	s0 =	simm.s32 @p2 $0x1  }
0x17: {  	s4 =	simm.s32 $0x1BF5;
	[smem:$0x3FBA] =	sst s0  }
0x18: {  	s0 =	sld [smem:$0x3F9D];
	_ =	swait.ge [sflag:s4], $0x0  }
0x19: {  	s7 =	sld [smem:$0x3F9E]  }
0x1a: {  	s8 =	sadd.s32 $0xFFFFE003, lr  }
0x1b: {  	s9 =	sadd.s32 $0xFFFFFEF7, lr;
	s5 =	simm.s32 $0xFFFFFFFF;
	p2 =	slt.u32 s8, $0xFFFFF086  }
0x1c: {  	p1 =	slt.u32 s9, $0xF7A;
	s5 =	simm.s32 @!p2 $0x0  }
0x1d: {  	s5 =	simm.s32 @p1 $0x1;
	p0 =	seq.s32 s7, s2  }
0x1e: {  	s7 =	smul.u32 @!p0 $0xF7A, s2;
	p2 =	seq.s32 @!p0 s5, $0x0  }
0x1f: {  	s9 =	smul.u32 $0xF7A, s1;
	s8 =	simm.s32 @!p0 $0x1BF5;
	p2 =	por !p2, p0  }
0x20: {  	[sflag:s8] =	ssyncset.s32 @!p0 $0xFFFFF086;
	s6 =	sadd.s32 @!p0 s3, s7;
	s7 =	simm.s32 @!p0 $0x108  }
0x21: {  	s3 =	sadd.s32 s3, s9;
	s6 =	sadd.s32 @!p0 $0x88, s6;
	s7 =	simm.s32 @p2 $0x1082  }
0x22: {  	[simem:s7], [sflag:s8] =	dma.local @!p0 [hbm:s6], $0xF7A  }
0x23: {  	s9 =	sor.u32 $0xD0000000, s2;
	s6 =	simm.s32 $0x108;
	_ =	swait.ge @!p0 [sflag:s8], $0x0  }
0x24: {  	s3 =	sadd.s32 $0x88, s3;
	s6 =	simm.s32 @!p1 $0x1082;
	[sflag:s4] =	ssyncset.s32 $0xFFFFF086  }
0x25: {  	[simem:s6], [sflag:s4] =	dma.local [hbm:s3], $0xF7A  }
0x26: {  	[smem:$0x3F9E] =	sst s1;
	(tag) =	ssettag s2;
	_ =	strace s9  }
0x27: {  	s1 =	sld [smem:$0x3FAE]  }
0x28: {  	s2 =	sld [smem:$0x3FAF]  }
0x29: {  	s4 =	sld [smem:$0x3FB1]  }
0x2a: {  	p0 =	seq.s32 s5, $0x0;
	s5 =	sld [smem:$0x3FB2]  }
0x2b: {  	s6 =	sld [smem:$0x3FB3]  }
0x2c: {  	s7 =	sld [smem:$0x3FB4]  }
0x2d: {  	s3 =	simm.s32 $0x108;
	s8 =	sld [smem:$0x3FB5]  }
0x2e: {  	s3 =	simm.s32 @!p0 $0x1082;
	s9 =	sld [smem:$0x3FB6]  }
0x2f: {  	lr =	sadd.s32 s0, s3;
	s0 =	sld [smem:$0x3FAD]  }
0x30: {  	s3 =	sld [smem:$0x3FB0]  }
0x31: {  	[smem:$0x3FB9] =	sst s10  }
0x32: {  	s10 =	sld [smem:$0x3FB7];
	_ =	sdelay $0x3  }
0x33: {  	p0 =	seq.s32 s10, $0x1;
	s10 =	sld [smem:$0x3FB9];
	_ =	sdelay $0x3  }
0x34: {  	[smem:$0x3FB9] =	sst s10  }
0x35: {  	s10 =	sld [smem:$0x3FB8];
	_ =	sdelay $0x3  }
0x36: {  	p1 =	seq.s32 s10, $0x1;
	s10 =	sld [smem:$0x3FB9];
	_ =	sdelay $0x3  }
0x37: {  	[smem:$0x3FB9] =	sst s10  }
0x38: {  	s10 =	sld [smem:$0x3FBA]  }
0x39: {  	_ = 	snop;
	(pc) =	sbr.ind lr, $3  }
0x3a: {  	_ = 	snop  }
0x3b: {  	_ = 	snop  }
0x3c: {  	p2 =	seq.s32 s10, $0x1;
	s10 =	sld [smem:$0x3FB9]  }
0x3d: {  	_ =	shalt  }
0x3e: {  	_ =	shalt  }
0x3f: {  	_ =	shalt  }
0x40: {  	_ =	shalt  }
0x41: {  	_ =	shalt  }
0x42: {  	_ =	shalt  }
0x43: {  	_ =	shalt  }
0x44: {  	_ =	shalt  }
0x45: {  	_ =	shalt  }
0x46: {  	_ =	shalt  }
0x47: {  	_ =	shalt  }
0x48: {  	_ =	shalt  }
0x49: {  	_ =	shalt  }
0x4a: {  	_ =	shalt  }
0x4b: {  	_ =	shalt  }
0x4c: {  	_ =	shalt  }
0x4d: {  	_ =	shalt  }
0x4e: {  	_ =	shalt  }
0x4f: {  	_ =	shalt  }
0x50: {  	_ =	shalt  }
0x51: {  	_ =	shalt  }
0x52: {  	_ =	shalt  }
0x53: {  	_ =	shalt  }
0x54: {  	_ =	shalt  }
0x55: {  	_ =	shalt  }
0x56: {  	_ =	shalt  }
0x57: {  	_ =	shalt  }
0x58: {  	_ =	shalt  }
0x59: {  	_ =	shalt  }
0x5a: {  	_ =	shalt  }
0x5b: {  	_ =	shalt  }
0x5c: {  	_ =	shalt  }
0x5d: {  	_ =	shalt  }
0x5e: {  	_ =	shalt  }
0x5f: {  	_ =	shalt  }
0x60: {  	_ =	shalt  }
0x61: {  	_ =	shalt  }
0x62: {  	_ =	shalt  }
0x63: {  	_ =	shalt  }
0x64: {  	_ =	shalt  }
0x65: {  	_ =	shalt  }
0x66: {  	_ =	shalt  }
0x67: {  	_ =	shalt  }
0x68: {  	_ =	shalt  }
0x69: {  	_ =	shalt  }
0x6a: {  	_ =	shalt  }
0x6b: {  	_ =	shalt  }
0x6c: {  	_ =	shalt  }
0x6d: {  	_ =	shalt  }
0x6e: {  	_ =	shalt  }
0x6f: {  	_ =	shalt  }
0x70: {  	_ =	shalt  }
0x71: {  	_ =	shalt  }
0x72: {  	_ =	shalt  }
0x73: {  	_ =	shalt  }
0x74: {  	_ =	shalt  }
0x75: {  	_ =	shalt  }
0x76: {  	_ =	shalt  }
0x77: {  	_ =	shalt  }
0x78: {  	_ =	shalt  }
0x79: {  	_ =	shalt  }
0x7a: {  	_ =	shalt  }
0x7b: {  	_ =	shalt  }
0x7c: {  	_ =	shalt  }
0x7d: {  	_ =	shalt  }
0x7e: {  	_ =	shalt  }
0x7f: {  	_ =	shalt  }
0x80: {  	_ =	shalt  }
0x81: {  	_ =	shalt  }
0x82: {  	_ =	shalt  }
0x83: {  	_ =	shalt  }
0x84: {  	_ =	shalt  }
0x85: {  	_ =	shalt  }
0x86: {  	_ =	shalt  }
0x87: {  	_ =	shalt  }
.Lfunc_end0:
.L_simem_size_0:
called_computation_lowered:
.L_overlay_start_0:
0x88: {  	s2 =	sld [smem:$0x3FD9]  }
0x89: {  	s3 =	sld [smem:$0x3FFE];
	_ =	sdelay $0x1  }
0x8a: {  	s1 =	srdreg.scid  }
0x8b: {  	s0 =	sand.u32 $0x1, s1  }
0x8c: {  	s18 =	sshll.u32 s0, $0xA;
	s2 =	sadd.s32 s3, s2  }
0x8d: {  	s2 =	sadd.s32 s2, s18  }
0x8e: {  	[smem:$0x3FC5] =	sst s2  }
0x8f: {  	_ = 	snop  }
0x90: {  	s2 =	sld [smem:$0x3FC9]  }
0x91: {  	s19 =	sld [smem:$0x3FC8]  }
0x92: {  	s4 =	sld [smem:$0x3FC7]  }
0x93: {  	s5 =	sld [smem:$0x3FD0];
	(tm) =	ssettm $0x1  }
0x94: {  	s6 =	sld [smem:$0x3FFB];
	_ =	sdelay $0x3  }
0x95: {  	_ =	strace s6  }
0x96: {  	s6 =	sld [smem:$0x3FFC];
	_ =	sdelay $0x3  }
0x97: {  	_ =	strace s6  }
0x98: {  	s6 =	sld [smem:$0x3FFD];
	_ =	sdelay $0x3  }
0x99: {  	_ =	strace s6  }
0x9a: {  	_ =	strace $0x8FFFFFFF  }
0x9b: {  	s20 =	sld [smem:$0x3FDB];
	_ =	sdelay $0x1  }
0x9c: {  	s7 =	simm.s32 $_scs_section_size  }
0x9d: {  	s8 =	simm.s32 $_size__tile_overlayer_lowered;
	s9 =	simm.s32 $_tile_overlayer_lowered  }
0x9e: {  	s23 =	simm.s32 $0x1BFF;
	s22 =	sshll.u32 s9, $0x1;
	s6 =	sadd.s32 s7, s20  }
0x9f: {  	s10 =	simm.s32 $0x0;
	s21 =	sshll.u32 s8, $0x1;
	s8 =	sadd.s32 s22, s6  }
0xa0: {  	[timem:s10], [sflag:s23] =	dma.local [hbm:s8], s21  }
0xa1: {  	_ =	swait.ge [sflag:s23], s21  }
0xa2: {  	s7 =	ssub.s32 $0x0, s21;
	[sflag:s23] =	ssyncset.done $0x0  }
0xa3: {  	[sflag:s23] =	ssyncadd.s32 s7;
	_ =	sdelay $0x1  }
0xa4: {  	s24 =	simm.s32 $0x1B8B  }
0xa5: {  	_ =	swait.ge [sflag:s24], $0x1  }
0xa6: {  	[sflag:s24] =	ssyncset.done $0x0  }
0xa7: {  	s25 =	simm.s32 $0x1B8E;
	[sflag:s24] =	ssyncadd.s32 $0xFFFFFFFF  }
0xa8: {  	s26 =	simm.s32 $execute0_lowered;
	[smem:$0x3FD2] =	sst s25  }
0xa9: {  	s7 =	sshll.u32 s26, $0x1;
	_ =	strace $0x80000046;
	[dreg:$0x1] =	wrdreg $0xFFFFFFFF  }
0xaa: {  	s28 =	simm.s32 $_size_execute0_lowered;
	s6 =	sadd.s32 s6, s7;
	[dreg:$0x0] =	wrdreg $0x0  }
0xab: {  	s7 =	sshll.u32 s28, $0x1;
	[dreg:$0x2] =	wrdreg s6  }
0xac: {  	[dreg:$0x3] =	wrdreg s7  }
0xad: {  	[dreg:$0x4] =	wrdreg $0xC0  }
0xae: {  	_ =	task [dreg:s10], $0x5FFFF  }
0xaf: {  	[dreg:$0x1] =	wrdreg $0xFFFFFFFF  }
0xb0: {  	[dreg:$0x0] =	wrdreg $0x60  }
0xb1: {  	[dreg:$0x2] =	wrdreg s19  }
0xb2: {  	[dreg:$0x3] =	wrdreg s2  }
0xb3: {  	[dreg:$0x4] =	wrdreg s4  }
0xb4: {  	[dreg:$0x5] =	wrdreg s5  }
0xb5: {  	[dreg:$0x6] =	wrdreg $0x9  }
0xb6: {  	_ =	task.clear_ibuf [dreg:s10], $0x7FFFF;
	_ =	strace $0x90000046  }
0xb7: {  	s29 =	simm.s32 $0x9;
	_ =	strace $0x8000004F  }
0xb8: {  	_ =	swait.ge [sflag:s29], $0x1  }
0xb9: {  	[sflag:s29] =	ssyncadd.s32 $0xFFFFFFFF  }
0xba: {  	_ =	strace $0x9000004F  }
0xbb: {  	_ =	sfence  }
0xbc: {  	s30 =	sld [smem:$0x0];
	_ =	sdelay $0x2  }
0xbd: {  	s31 =	sshll.u32 s1, $0xD;
	s1 =	sshrl.u32 s1, $0x2  }
0xbe: {  	s3 =	sand.u32 $0x4000, s31;
	s1 =	sadd.s32 s1, s30  }
0xbf: {  	s0 =	sor.u32 s3, s0;
	s1 =	sshll.u32 s1, $0x11  }
0xc0: {  	s0 =	sor.u32 s1, s0  }
0xc1: {  	s0 =	sadd.s32 $0x8F2B, s0  }
0xc2: {  	[sflag:s0] =	ssyncadd.remote.s32 $0x1  }
0xc3: {  	_ =	sfence.sel $0xFFFF  }
0xc4: {  	[dreg:$0x0] =	wrdreg $0xFFFFFFFF;
	(pc) =	sbr.abs _section_cstart, $3  }
0xc5: {  	[dreg:$0x1] =	wrdreg $0xFFFFFFFF  }
0xc6: {  	_ =	task.clear_ibuf [dreg:s10], $0x2FFFF;
	_ =	strace $0x9FFFFFFF  }
0xc7: {  	(tm) =	ssettm $0x7FFFFFFF  }
tec
execute0_lowered:
.L_overlay_start_1:
0x0: {  	(tag) =	ssettag $0x1  }
0x1: {  	s2 =	rddreg [dreg:$0x1]  }
0x2: {  	s4 =	rddreg [dreg:$0x3];
	s0 =	srdreg.scid  }
0x3: {  	s6 =	simm.s32 $0x0;
	s3 =	stileid.u32;
	s10 =	simm.s32 $0x400  }
0x4: {  	s11 =	simm.s32 $0x2;
	s12 =	simm.s32 $0x480;
	s13 =	simm.s32 $0x1  }
0x5: {  	s14 =	simm.s32 $0x5;
	s15 =	simm.s32 $0x0;
	s0 =	sand.u32 $0x1, s0  }
0x6: {  	s25 =	simm.s32 $0x0;
	s1 =	ssub.s32 $0x2, s0;
	s0 =	sshll.u32 s0, $0x4  }
0x7: {  	[smem:$0x7FF] =	sst s6;
	s5 =	sshrl.u32 s1, $0x1;
	s0 =	sor.u32 s3, s0  }
0x8: {  	v1 =	vlaneseq.u32;
	_ =	strace $0x80000047;
	s1 =	ssub.s32 s1, s5;
	s31 =	sshll.u32 s0, $0x10  }
0x9: {  	v0 =	vimm.s32 $0x0;
	vm0 =	vmmov $0xff;
	v1 =	vmul.u32 $0x4, v1;
	s7 =	sshll.u32 s0, $0x5;
	s8 =	sadd.s32 s2, s31;
	s9 =	smax.u32 s1, $0x1  }
.LBB2_1:
0xa: {  	s0 =	rddreg [dreg:$0x0]  }
0xb: {  	[tilespmem:s10], [sflag:$0x1] =	stream.linear.gather [hbm4b:s0+s6], $0x80, $0x38;
	[tilespmem:$0x10480] =	vst v63  }
0xc: {  	_ =	swait.ge [sflag:s13], $0x80  }
0xd: {  	[sflag:s13] =	ssyncset.done $0x0  }
0xe: {  	[sflag:s13] =	ssyncadd.s32 $0xFFFFFF80  }
0xf: {  	v2 =	vld.msk [tilespmem:$0x400], $0x1;
	_ =	sdelay $0x4  }
0x10: {  	v3 =	vshll.u32 v2, $0x3  }
0x11: {  	v2 =	vand.u32 $0x3, v2;
	v3 =	vand.u32 $0xFFFFFFE0, v3  }
0x12: {  	v2 =	vor.u32 v2, v3  }
0x13: {  	v2 =	vperm.xlane v2, v0;
	_ =	sdelay $0x1  }
0x14: {  	v2 =	vadd.s32 v1, v2;
	_ =	sdelay $0x3  }
0x15: {  	s31 =	rddreg [dreg:$0x2]  }
0x16: {  	[tilespmem:s6], [sflag:$0x2] =	stream.indirect_vreg.gather [hbm4b:s31+s6], $0x80, v2, vm0, $0xb8;
	[tilespmem:$0x10480] =	vst v63  }
0x17: {  	_ =	swait.ge [sflag:s11], $0x400  }
0x18: {  	[sflag:s11] =	ssyncset.done $0x0  }
0x19: {  	s16 =	simm.s32 $0x0;
	s17 =	simm.s32 $0x0;
	[sflag:s11] =	ssyncadd.s32 $0xFFFFFC00  }
0x1a: {  	s18 =	simm.s32 $0x0;
	s19 =	simm.s32 $0x0;
	_ =	strace $0x80000048  }
0x1b: {  	[tilespmem:s12], [sflag:$0x2] =	stream.linear.gather [hbm4b:s8+s6], $0x4000, $0x200038;
	[tilespmem:$0x10480] =	vst v63  }
0x1c: {  	s20 =	simm.s32 $0x1;
	s21 =	simm.s32 $0x0;
	_ =	strace $0x90000048  }
.LBB2_2:
0x1d: {  	s0 =	smov.u32 s16;
	s16 =	sadd.s32 $0x1, s16  }
0x1e: {  	p0 =	seq.s32 s16, $0x20  }
0x1f: {  	s16 =	simm.s32 @p0 $0x0  }
0x20: {  	p6 =	sne.s32 s21, $0x1F;
	p1 =	sne.s32 s0, s16  }
0x21: {  	p0 =	por !p6, !p1  }
0x22: {  	p0 =	por !p0, !p0  }
0x23: {  	s5 =	sadd.s32 @p0 s7, s16  }
0x24: {  	s1 =	sand.u32 @p0 $0x1, s20;
	_ =	strace @p0 $0x80000049;
	s5 =	sshll.u32 @p0 s5, $0xB  }
0x25: {  	s23 =	simm.s32 @p0 $0x0;
	s22 =	sshll.u32 @p0 s1, $0xE;
	s5 =	sand.u32 @p0 $0x1FFFF800, s5  }
0x26: {  	s1 =	sor.u32 @p0 $0x2, s1;
	s22 =	sor.u32 @p0 $0x480, s22;
	s5 =	sadd.s32 @p0 s2, s5  }
0x27: {  	[tilespmem:s22], [sflag:s1] =	stream.linear.gather @p0 [hbm4b:s5+s23], $0x4000, $0x200038;
	[tilespmem:$0x10480] =	vst v63  }
0x28: {  	s29 =	sand.u32 $0x1, s19;
	_ =	strace @p0 $0x90000049  }
0x29: {  	s1 =	sor.u32 $0x2, s29;
	_ =	strace $0x8000004A  }
0x2a: {  	s30 =	sshll.u32 s19, $0xE;
	s23 =	sand.u32 $0x1, s18;
	_ =	swait.ge [sflag:s1], $0x4000  }
0x2b: {  	s22 =	sadd.s32 s7, s0;
	s31 =	sshll.u32 s23, $0xE;
	[sflag:s1] =	ssyncset.done $0x0  }
0x2c: {  	s0 =	sand.u32 $0x4000, s30;
	s24 =	sor.u32 $0x8480, s31;
	[sflag:s1] =	ssyncadd.s32 $0xFFFFC000  }
0x2d: {  	s0 =	sor.u32 $0x480, s0;
	v3 =	vmov s24;
	_ =	strace $0x9000004A  }
0x2e: {  	s26 =	simm.s32 $0x0;
	v2 =	vmov s0;
	_ =	strace $0x8000004B  }
.LBB2_3:
0x2f: {  	s29 =	sand.u32 $0x8, s26  }
0x30: {  	s0 =	sshll.u32 s26, $0x7;
	s1 =	sadd.s32 $0x0, s29  }
0x31: {  	s28 =	sand.u32 $0x380, s0;
	s3 =	sshll.u32 s1, $0xA  }
0x32: {  	s5 =	sand.u32 $0x70, s25;
	s0 =	sor.u32 s28, s3  }
0x33: {  	v5 =	vld [tilespmem:s25+$0x0];
	s30 =	sor.u32 s5, s0  }
0x34: {  	v4 =	vld.idx.msk [tilespmem:v2+s30+$0x0 ss:$0x1], $0xffff;
	_ =	sdelay $0x1  }
0x35: {  	s31 =	simm.s32 $0x0  }
0x36: {  	s1 =	simm.s32 $0x0;
	s5 =	simm.s32 $0x2;
	s0 =	simm.s32 $0x0  }
.LBB2_4:
0x37: {  	p2 =	sne.s32 s5, $0x3F;
	s1 =	sadd.s32 s29, s1  }
0x38: {  	s0 =	sadd.s32 $0x10, s0;
	s1 =	sshll.u32 s1, $0xA;
	v4 =	vadd.f32 v5, v4  }
0x39: {  	s3 =	sand.u32 $0x70, s0;
	s1 =	sor.u32 s28, s1  }
0x3a: {  	[tilespmem:v3+s30+$0x0 ss:$0x1] =	vst.idx.msk $0xffff, v4;
	s30 =	sor.u32 s3, s1  }
.Ltmp0:
0x3b: {  	s31 =	sadd.s32 $0x10, s31;
	v4 =	vld.idx.msk [tilespmem:v2+s30+$0x0 ss:$0x1], $0xffff;
	(pc) =	sbr.rel @p2 .LBB2_4-.Ltmp0, $2  }
0x3c: {  	v5 =	vld [tilespmem:s31+$0x0];
	_ =	sdelay $0x2  }
0x3d: {  	s1 =	sshrl.u32 s5, $0x3;
	s5 =	sadd.s32 $0x1, s5  }
0x3e: {  	_ = 	snop  }
0x3f: {  	s1 =	sadd.s32 s29, s1  }
0x40: {  	s0 =	sadd.s32 $0x10, s0;
	s1 =	sshll.u32 s1, $0xA;
	v4 =	vadd.f32 v5, v4  }
0x41: {  	s0 =	sand.u32 $0x70, s0;
	s1 =	sor.u32 s28, s1  }
0x42: {  	s0 =	sor.u32 s0, s1;
	[tilespmem:v3+s30+$0x0 ss:$0x1] =	vst.idx.msk $0xffff, v4  }
0x43: {  	s31 =	sadd.s32 $0x10, s31;
	v4 =	vld.idx.msk [tilespmem:v2+s0+$0x0 ss:$0x1], $0xffff  }
0x44: {  	v5 =	vld [tilespmem:s31+$0x0]  }
0x45: {  	s26 =	sadd.s32 $0x1, s26  }
0x46: {  	p2 =	sne.s32 s26, $0x10  }
.Ltmp1:
0x47: {  	_ = 	snop;
	(pc) =	sbr.rel @p2 .LBB2_3-.Ltmp1, $3  }
0x48: {  	_ = 	snop  }
0x49: {  	v4 =	vadd.f32 v5, v4;
	_ =	sdelay $0x1  }
0x4a: {  	[tilespmem:v3+s0+$0x0 ss:$0x1] =	vst.idx.msk $0xffff, v4  }
0x4b: {  	p2 =	seq.s32 s21, $0x1F  }
0x4c: {  	p1 =	por p2, p1  }
0x4d: {  	_ =	strace $0x9000004B;
	s0 =	sshll.u32 @p1 s22, $0xB  }
0x4e: {  	_ =	strace @p1 $0x8000004C;
	s0 =	sand.u32 @p1 $0x1FFFF800, s0  }
0x4f: {  	s1 =	sor.u32 @p1 $0x4, s23;
	s3 =	simm.s32 @p1 $0x0;
	s0 =	sadd.s32 @p1 s4, s0  }
0x50: {  	[hbm4b:s0+s3] =	stream.linear.scatter @p1 [tilespmem:s24], [sflag:s1], $0x4000, $0x200038;
	[tilespmem:$0x10480] =	vst v63  }
0x51: {  	s0 =	simm.s32 $0x1  }
0x52: {  	s3 =	simm.s32 $0x1;
	s0 =	simm.s32 @!p0 $0x0;
	p0 =	seq.s32 s21, $0x0  }
0x53: {  	_ =	strace @p1 $0x9000004C;
	s20 =	sadd.s32 s0, s20;
	s0 =	simm.s32 $0x1  }
0x54: {  	s0 =	simm.s32 @!p1 $0x0;
	p1 =	sne.s32 s21, $0x0;
	s21 =	sadd.s32 $0x1, s21  }
0x55: {  	s1 =	sand.u32 @!p0 $0x1, s17;
	s3 =	simm.s32 @!p1 $0x0;
	p1 =	sne.s32 s21, $0x20  }
.Ltmp2:
0x56: {  	_ =	strace @!p0 $0x8000004D;
	s1 =	sor.u32 @!p0 $0x4, s1;
	(pc) =	sbr.rel @p1 .LBB2_2-.Ltmp2, $4  }
0x57: {  	_ =	swait.ge @!p0 [sflag:s1], $0x4000  }
0x58: {  	[sflag:s1] =	ssyncset.done @!p0 $0x0  }
0x59: {  	s18 =	sadd.s32 s0, s18;
	[sflag:s1] =	ssyncadd.s32 @!p0 $0xFFFFC000  }
0x5a: {  	s19 =	sadd.s32 s0, s19;
	s17 =	sadd.s32 s3, s17;
	_ =	strace @!p0 $0x9000004D  }
0x5b: {  	s15 =	sadd.s32 $0x1, s15  }
0x5c: {  	p0 =	sne.s32 s15, s9  }
.Ltmp3:
0x5d: {  	_ =	strace $0x8000004E;
	(pc) =	sbr.rel @p0 .LBB2_1-.Ltmp3, $4  }
0x5e: {  	_ =	swait.ge [sflag:s14], $0x4000  }
0x5f: {  	[sflag:s14] =	ssyncset.done $0x0  }
0x60: {  	[sflag:s14] =	ssyncadd.s32 $0xFFFFC000  }
0x61: {  	_ =	strace $0x9000004E  }
0x62: {  	_ =	sfence.sel $0x180000  }
0x63: {  	[bflag:$0x0] =	sbarrier.arrive $0xFFFF  }
0x64: {  	_ =	strace $0x90000047  }
0x65: {  	s0 =	stileid.u32;
	[bflag:$0x2] =	sbarrier.arrive $0xFFFF  }
0x66: {  	p0 =	sne.s32 s0, $0x0;
	s0 =	rddreg [dreg:$0x4]  }
0x67: {  	s0 =	sadd.s32 @!p0 $0x100000, s0  }
0x68: {  	[sflag:s0] =	ssyncadd.tile.s32 @!p0 $0x1;
	_ =	shalt  }
.Lfunc_end2:
_tile_overlayer_lowered:
.L_overlay_start_2:
0x69: {  	(tag) =	ssettag $0x2  }
0x6a: {  	s0 =	rddreg [dreg:$0x0];
	s2 =	stileid.u32  }
0x6b: {  	s1 =	rddreg [dreg:$0x1];
	p0 =	sne.s32 s2, $0x0  }
0x6c: {  	s3 =	rddreg [dreg:$0x2];
	[bflag:$0x3] =	sbarrier.arrive $0xFFFF;
	s2 =	simm.s32 @!p0 $0x1C02  }
0x6d: {  	[timem:s3], [sflag:s2] =	dma.local @!p0 [hbm:s0], s1  }
0x6e: {  	s0 =	simm.s32 @!p0 $0x2  }
0x6f: {  	_ =	swait.ge @!p0 [sflag:s0], s1  }
0x70: {  	s1 =	ssub.s32 @!p0 $0x0, s1;
	[sflag:s0] =	ssyncset.done @!p0 $0x0  }
0x71: {  	[sflag:s0] =	ssyncadd.s32 @!p0 s1  }
0x72: {  	[bflag:$0x3] =	sbarrier.arrive $0xFFFF  }
0x73: {  	_ =	shalt  }

</sc_bundles>
